<compile_context>
chip_gen: v7x
topology: tpu7x:2x2x1
jax: 0.10.2.dev20260603
libtpu: 0.0.44.dev20260713+nightly
codegen_flags: <defaults>
</compile_context>

<pallas_src>
import jax
import jax.numpy as jnp
from jax import lax
from jax.experimental import pallas as pl
from jax.experimental.pallas import tpu as pltpu
from jax.experimental.pallas import tpu_sc as plsc

N = 262144
NUM_CORES = 2
NUM_SUBCORES = 16
LANES = 16
NW = NUM_CORES * NUM_SUBCORES
CHUNK = N // NW
NBUF = 4
CSZ = CHUNK // NBUF
UNROLL = 8
STEPS = CHUNK // LANES // UNROLL


def _body(pred_hbm, targ_hbm, out_hbm, pred_v, targ_v, out_v):
    cid = lax.axis_index("c")
    sid = lax.axis_index("s")
    wid = sid * NUM_CORES + cid
    base = wid * CHUNK

    pltpu.sync_copy(pred_hbm.at[pl.ds(base, CHUNK)], pred_v)
    pltpu.sync_copy(targ_hbm.at[pl.ds(base, CHUNK)], targ_v)

    one = jnp.full((LANES,), 1.0, jnp.float32)
    zero = jnp.full((LANES,), 0.0, jnp.float32)

    def make_step(j):
        def step(k, carry):
            ss, cs = carry
            off = k * (UNROLL * LANES)
            new_ss, new_cs = [], []
            for u in range(UNROLL):
                p = pred_v[pl.ds(off + u * LANES, LANES)]
                t = targ_v[pl.ds(off + u * LANES, LANES)]
                d = p - t
                ok = (d > -0.5) & ((d <= 0.5) | (t == 99.0))
                new_ss.append(ss[u] + jnp.abs(d))
                new_cs.append(cs[u] + jnp.where(ok, one, zero))
            return tuple(new_ss), tuple(new_cs)
        return step

    carry = (tuple(zero for _ in range(UNROLL)),
             tuple(zero for _ in range(UNROLL)))
    carry = lax.fori_loop(0, STEPS, make_step(0), carry)

    ss, cs = carry
    s = ss[0]
    c = cs[0]
    for u in range(1, UNROLL):
        s = s + ss[u]
        c = c + cs[u]
    out_v[0, :] = s
    out_v[1, :] = c
    pltpu.sync_copy(out_v.at[0], out_hbm.at[pl.ds(wid * LANES, LANES)])
    pltpu.sync_copy(out_v.at[1], out_hbm.at[pl.ds(NW * LANES + wid * LANES, LANES)])


@jax.jit
def _focus_metrics(pred_flat, target):
    out = pl.kernel(
        _body,
        out_type=jax.ShapeDtypeStruct((2 * NW * LANES,), jnp.float32),
        mesh=plsc.VectorSubcoreMesh(
            core_axis_name="c", subcore_axis_name="s",
            num_cores=NUM_CORES, num_subcores=NUM_SUBCORES,
        ),
        scratch_types=[
            pltpu.VMEM((CHUNK,), jnp.float32),
            pltpu.VMEM((CHUNK,), jnp.float32),
            pltpu.VMEM((2, LANES), jnp.float32),
        ],
    )(pred_flat, target)
    totals = jnp.sum(out.reshape(2, NW * LANES), axis=1)
    l1 = totals[0] / jnp.float32(N)
    correct = totals[1].astype(jnp.int32)
    total = jnp.array(N, dtype=jnp.int32)
    return l1, correct, total


def kernel(prediction, target):
    return _focus_metrics(prediction.reshape(-1), target)

# --- scband reference (transcript-rebuilt; emitter-appended) ---
"""Pipeline reference for scband-focus-metrics-26792005992527 (READ-ONLY COPY).

The authoritative reference and input builder live on the scoring server;
editing this copy changes nothing except your own understanding.
"""

import jax, jax.numpy as jnp
import numpy as np

GRID_MIN, GRID_MAX, GRID_STEP = 0, 100, 1
N = 262144


def setup_inputs(seed: int = 0) -> dict:
    key = jax.random.key(seed)
    k1, k2 = jax.random.split(key)
    # prediction values live in the grid range [0, 100)
    prediction = jax.random.uniform(k1, (N, 1), dtype=jnp.float32, minval=0.0, maxval=100.0)
    # target values are grid-aligned floats (randint cast to float32)
    target = jax.random.randint(k2, (N,), 0, 100).astype(jnp.float32)
    return {"prediction": prediction, "target": target}


def reference(prediction, target):
    grid = jnp.arange(GRID_MIN, GRID_MAX, GRID_STEP)  # int grid, len 100
    # l1_loss = nn.L1Loss() -> mean absolute error
    l1_value = jnp.mean(jnp.abs(prediction.reshape(-1) - target))
    # repeated = prediction.repeat(1, len(grid))
    repeated = jnp.tile(prediction, (1, grid.shape[0]))  # [N, 100]
    diff = jnp.abs(repeated - grid[None, :].astype(prediction.dtype))
    idx = jnp.argmin(diff, axis=1)  # nearest codeword index
    class_pred = jnp.take(grid, idx).astype(prediction.dtype)
    correct_pred = jnp.sum(class_pred == target)
    total = jnp.array(target.shape[0], dtype=jnp.int32)
    return (l1_value, correct_pred, total)

if __name__ == "__main__":
    import jax
    _d = setup_inputs()
    print(jax.jit(kernel)(*tuple(_d.values())))

</pallas_src>

<mosaic_0001>
#map = affine_map<(d0, d1) -> (0)>
module attributes {stable_mosaic.version = 14 : i64} {
  func.func @_body(%arg0: i32, %arg1: i32, %arg2: memref<262144xf32, #tpu.memory_space<hbm>>, %arg3: memref<262144xf32, #tpu.memory_space<hbm>>, %arg4: memref<1024xf32, #tpu.memory_space<hbm>>, %arg5: memref<8192xf32, #tpu.memory_space<vmem>>, %arg6: memref<8192xf32, #tpu.memory_space<vmem>>, %arg7: memref<2x16xf32, #tpu.memory_space<vmem>>) attributes {dimension_semantics = [#tpu.dimension_semantics<core_parallel>, #tpu.dimension_semantics<subcore_parallel>], iteration_bounds = array<i64: 2, 16>, scalar_prefetch = 0 : i64, scratch_operands = 3 : i64, tpu.core_type = #tpu.core_type<sc_vector_subcore>, window_params = [{transform_indices = #map}, {transform_indices = #map}, {transform_indices = #map}]} {
    %mul3A = arith.constant 2 : i32
    %mul3A_0 = arith.muli %arg1, %mul3A : i32
    %add3A = arith.addi %mul3A_0, %arg0 : i32
    %mul3A_1 = arith.constant 8192 : i32
    %mul3A_2 = arith.muli %add3A, %mul3A_1 : i32
    "tpu.region"() ({
      %run_scoped3A_43 = tpu.sem_alloc : memref<!tpu.dma_semaphore, #tpu.memory_space<semaphore_mem>>
      %dma_start3A = tpu.memref_slice %arg2[%mul3A_2] : memref<262144xf32, #tpu.memory_space<hbm>> -> memref<8192xf32, #tpu.memory_space<hbm>>
      %dma_start3A_44 = tpu.memref_slice %arg2[%mul3A_2] : memref<262144xf32, #tpu.memory_space<hbm>> -> memref<8192xf32, #tpu.memory_space<hbm>>
      tpu.enqueue_dma source(%dma_start3A_44 : memref<8192xf32, #tpu.memory_space<hbm>>) target(%arg5 : memref<8192xf32, #tpu.memory_space<vmem>>) target_semaphore(%run_scoped3A_43 : memref<!tpu.dma_semaphore, #tpu.memory_space<semaphore_mem>>)
      %dma_wait3A = tpu.memref_slice %arg2[%mul3A_2] : memref<262144xf32, #tpu.memory_space<hbm>> -> memref<8192xf32, #tpu.memory_space<hbm>>
      %dma_wait3A_45 = tpu.memref_slice %arg2[%mul3A_2] : memref<262144xf32, #tpu.memory_space<hbm>> -> memref<8192xf32, #tpu.memory_space<hbm>>
      tpu.wait_dma2 semaphore(%run_scoped3A_43 : memref<!tpu.dma_semaphore, #tpu.memory_space<semaphore_mem>>) src(%dma_wait3A_45 : memref<8192xf32, #tpu.memory_space<hbm>>) dst(%arg5 : memref<8192xf32, #tpu.memory_space<vmem>>)
      tpu.yield
    }) : () -> ()
    "tpu.region"() ({
      %run_scoped3A_43 = tpu.sem_alloc : memref<!tpu.dma_semaphore, #tpu.memory_space<semaphore_mem>>
      %dma_start3A = tpu.memref_slice %arg3[%mul3A_2] : memref<262144xf32, #tpu.memory_space<hbm>> -> memref<8192xf32, #tpu.memory_space<hbm>>
      %dma_start3A_44 = tpu.memref_slice %arg3[%mul3A_2] : memref<262144xf32, #tpu.memory_space<hbm>> -> memref<8192xf32, #tpu.memory_space<hbm>>
      tpu.enqueue_dma source(%dma_start3A_44 : memref<8192xf32, #tpu.memory_space<hbm>>) target(%arg6 : memref<8192xf32, #tpu.memory_space<vmem>>) target_semaphore(%run_scoped3A_43 : memref<!tpu.dma_semaphore, #tpu.memory_space<semaphore_mem>>)
      %dma_wait3A = tpu.memref_slice %arg3[%mul3A_2] : memref<262144xf32, #tpu.memory_space<hbm>> -> memref<8192xf32, #tpu.memory_space<hbm>>
      %dma_wait3A_45 = tpu.memref_slice %arg3[%mul3A_2] : memref<262144xf32, #tpu.memory_space<hbm>> -> memref<8192xf32, #tpu.memory_space<hbm>>
      tpu.wait_dma2 semaphore(%run_scoped3A_43 : memref<!tpu.dma_semaphore, #tpu.memory_space<semaphore_mem>>) src(%dma_wait3A_45 : memref<8192xf32, #tpu.memory_space<hbm>>) dst(%arg6 : memref<8192xf32, #tpu.memory_space<vmem>>)
      tpu.yield
    }) : () -> ()
    %broadcast_in_dim3A = arith.constant 1.000000e+00 : f32
    %broadcast_in_dim3A_3 = vector.broadcast %broadcast_in_dim3A : f32 to vector<16xf32>
    %broadcast_in_dim3A_4 = arith.constant 0.000000e+00 : f32
    %broadcast_in_dim3A_5 = vector.broadcast %broadcast_in_dim3A_4 : f32 to vector<16xf32>
    %scan3A = arith.constant 0 : i32
    %scan3A_6 = arith.constant 64 : i32
    %scan3A_7 = arith.addi %scan3A, %scan3A_6 : i32
    %scan3A_8 = arith.constant 1 : i32
    %scan3A_9:16 = scf.for %scan3A_43 = %scan3A to %scan3A_7 step %scan3A_8 iter_args(%scan3A_44 = %broadcast_in_dim3A_5, %scan3A_45 = %broadcast_in_dim3A_5, %scan3A_46 = %broadcast_in_dim3A_5, %scan3A_47 = %broadcast_in_dim3A_5, %scan3A_48 = %broadcast_in_dim3A_5, %scan3A_49 = %broadcast_in_dim3A_5, %scan3A_50 = %broadcast_in_dim3A_5, %scan3A_51 = %broadcast_in_dim3A_5, %scan3A_52 = %broadcast_in_dim3A_5, %scan3A_53 = %broadcast_in_dim3A_5, %scan3A_54 = %broadcast_in_dim3A_5, %scan3A_55 = %broadcast_in_dim3A_5, %scan3A_56 = %broadcast_in_dim3A_5, %scan3A_57 = %broadcast_in_dim3A_5, %scan3A_58 = %broadcast_in_dim3A_5, %scan3A_59 = %broadcast_in_dim3A_5) -> (vector<16xf32>, vector<16xf32>, vector<16xf32>, vector<16xf32>, vector<16xf32>, vector<16xf32>, vector<16xf32>, vector<16xf32>, vector<16xf32>, vector<16xf32>, vector<16xf32>, vector<16xf32>, vector<16xf32>, vector<16xf32>, vector<16xf32>, vector<16xf32>)  : i32 {
      %mul3A_60 = arith.constant 128 : i32
      %mul3A_61 = arith.muli %scan3A_43, %mul3A_60 : i32
      %add3A_62 = arith.constant 0 : i32
      %add3A_63 = arith.addi %mul3A_61, %add3A_62 : i32
      %get3A = arith.index_cast %add3A_63 : i32 to index
      %get3A_64 = tpu.vector_load %arg5[%get3A] {strides = array<i32>} : memref<8192xf32, #tpu.memory_space<vmem>>, vector<16xf32>,
      %get3A_65 = vector.shape_cast %get3A_64 : vector<16xf32> to vector<16xf32>
      %add3A_66 = arith.constant 0 : i32
      %add3A_67 = arith.addi %mul3A_61, %add3A_66 : i32
      %get3A_68 = arith.index_cast %add3A_67 : i32 to index
      %get3A_69 = tpu.vector_load %arg6[%get3A_68] {strides = array<i32>} : memref<8192xf32, #tpu.memory_space<vmem>>, vector<16xf32>,
      %get3A_70 = vector.shape_cast %get3A_69 : vector<16xf32> to vector<16xf32>
      %sub3A = arith.subf %get3A_65, %get3A_70 : vector<16xf32>
      %gt3A = arith.constant -5.000000e-01 : f32
      %gt3A_71 = vector.broadcast %gt3A : f32 to vector<16xf32>
      %gt3A_72 = arith.cmpf ogt, %sub3A, %gt3A_71 : vector<16xf32>
      %le3A = arith.constant 5.000000e-01 : f32
      %le3A_73 = vector.broadcast %le3A : f32 to vector<16xf32>
      %le3A_74 = arith.cmpf ole, %sub3A, %le3A_73 : vector<16xf32>
      %eq3A = arith.constant 9.900000e+01 : f32
      %eq3A_75 = vector.broadcast %eq3A : f32 to vector<16xf32>
      %eq3A_76 = arith.cmpf oeq, %get3A_70, %eq3A_75 : vector<16xf32>
      %or3A = arith.ori %le3A_74, %eq3A_76 : vector<16xi1>
      %and3A = arith.andi %gt3A_72, %or3A : vector<16xi1>
      %abs3A = math.absf %sub3A : vector<16xf32>
      %add3A_77 = arith.addf %scan3A_44, %abs3A : vector<16xf32>
      %select_n3A = arith.select %and3A, %broadcast_in_dim3A_3, %broadcast_in_dim3A_5 : vector<16xi1>, vector<16xf32>
      %add3A_78 = arith.addf %scan3A_52, %select_n3A : vector<16xf32>
      %add3A_79 = arith.constant 16 : i32
      %add3A_80 = arith.addi %mul3A_61, %add3A_79 : i32
      %get3A_81 = arith.index_cast %add3A_80 : i32 to index
      %get3A_82 = tpu.vector_load %arg5[%get3A_81] {strides = array<i32>} : memref<8192xf32, #tpu.memory_space<vmem>>, vector<16xf32>,
      %get3A_83 = vector.shape_cast %get3A_82 : vector<16xf32> to vector<16xf32>
      %add3A_84 = arith.constant 16 : i32
      %add3A_85 = arith.addi %mul3A_61, %add3A_84 : i32
      %get3A_86 = arith.index_cast %add3A_85 : i32 to index
      %get3A_87 = tpu.vector_load %arg6[%get3A_86] {strides = array<i32>} : memref<8192xf32, #tpu.memory_space<vmem>>, vector<16xf32>,
      %get3A_88 = vector.shape_cast %get3A_87 : vector<16xf32> to vector<16xf32>
      %sub3A_89 = arith.subf %get3A_83, %get3A_88 : vector<16xf32>
      %gt3A_90 = arith.constant -5.000000e-01 : f32
      %gt3A_91 = vector.broadcast %gt3A_90 : f32 to vector<16xf32>
      %gt3A_92 = arith.cmpf ogt, %sub3A_89, %gt3A_91 : vector<16xf32>
      %le3A_93 = arith.constant 5.000000e-01 : f32
      %le3A_94 = vector.broadcast %le3A_93 : f32 to vector<16xf32>
      %le3A_95 = arith.cmpf ole, %sub3A_89, %le3A_94 : vector<16xf32>
      %eq3A_96 = arith.constant 9.900000e+01 : f32
      %eq3A_97 = vector.broadcast %eq3A_96 : f32 to vector<16xf32>
      %eq3A_98 = arith.cmpf oeq, %get3A_88, %eq3A_97 : vector<16xf32>
      %or3A_99 = arith.ori %le3A_95, %eq3A_98 : vector<16xi1>
      %and3A_100 = arith.andi %gt3A_92, %or3A_99 : vector<16xi1>
      %abs3A_101 = math.absf %sub3A_89 : vector<16xf32>
      %add3A_102 = arith.addf %scan3A_45, %abs3A_101 : vector<16xf32>
      %select_n3A_103 = arith.select %and3A_100, %broadcast_in_dim3A_3, %broadcast_in_dim3A_5 : vector<16xi1>, vector<16xf32>
      %add3A_104 = arith.addf %scan3A_53, %select_n3A_103 : vector<16xf32>
      %add3A_105 = arith.constant 32 : i32
      %add3A_106 = arith.addi %mul3A_61, %add3A_105 : i32
      %get3A_107 = arith.index_cast %add3A_106 : i32 to index
      %get3A_108 = tpu.vector_load %arg5[%get3A_107] {strides = array<i32>} : memref<8192xf32, #tpu.memory_space<vmem>>, vector<16xf32>,
      %get3A_109 = vector.shape_cast %get3A_108 : vector<16xf32> to vector<16xf32>
      %add3A_110 = arith.constant 32 : i32
      %add3A_111 = arith.addi %mul3A_61, %add3A_110 : i32
      %get3A_112 = arith.index_cast %add3A_111 : i32 to index
      %get3A_113 = tpu.vector_load %arg6[%get3A_112] {strides = array<i32>} : memref<8192xf32, #tpu.memory_space<vmem>>, vector<16xf32>,
      %get3A_114 = vector.shape_cast %get3A_113 : vector<16xf32> to vector<16xf32>
      %sub3A_115 = arith.subf %get3A_109, %get3A_114 : vector<16xf32>
      %gt3A_116 = arith.constant -5.000000e-01 : f32
      %gt3A_117 = vector.broadcast %gt3A_116 : f32 to vector<16xf32>
      %gt3A_118 = arith.cmpf ogt, %sub3A_115, %gt3A_117 : vector<16xf32>
      %le3A_119 = arith.constant 5.000000e-01 : f32
      %le3A_120 = vector.broadcast %le3A_119 : f32 to vector<16xf32>
      %le3A_121 = arith.cmpf ole, %sub3A_115, %le3A_120 : vector<16xf32>
      %eq3A_122 = arith.constant 9.900000e+01 : f32
      %eq3A_123 = vector.broadcast %eq3A_122 : f32 to vector<16xf32>
      %eq3A_124 = arith.cmpf oeq, %get3A_114, %eq3A_123 : vector<16xf32>
      %or3A_125 = arith.ori %le3A_121, %eq3A_124 : vector<16xi1>
      %and3A_126 = arith.andi %gt3A_118, %or3A_125 : vector<16xi1>
      %abs3A_127 = math.absf %sub3A_115 : vector<16xf32>
      %add3A_128 = arith.addf %scan3A_46, %abs3A_127 : vector<16xf32>
      %select_n3A_129 = arith.select %and3A_126, %broadcast_in_dim3A_3, %broadcast_in_dim3A_5 : vector<16xi1>, vector<16xf32>
      %add3A_130 = arith.addf %scan3A_54, %select_n3A_129 : vector<16xf32>
      %add3A_131 = arith.constant 48 : i32
      %add3A_132 = arith.addi %mul3A_61, %add3A_131 : i32
      %get3A_133 = arith.index_cast %add3A_132 : i32 to index
      %get3A_134 = tpu.vector_load %arg5[%get3A_133] {strides = array<i32>} : memref<8192xf32, #tpu.memory_space<vmem>>, vector<16xf32>,
      %get3A_135 = vector.shape_cast %get3A_134 : vector<16xf32> to vector<16xf32>
      %add3A_136 = arith.constant 48 : i32
      %add3A_137 = arith.addi %mul3A_61, %add3A_136 : i32
      %get3A_138 = arith.index_cast %add3A_137 : i32 to index
      %get3A_139 = tpu.vector_load %arg6[%get3A_138] {strides = array<i32>} : memref<8192xf32, #tpu.memory_space<vmem>>, vector<16xf32>,
      %get3A_140 = vector.shape_cast %get3A_139 : vector<16xf32> to vector<16xf32>
      %sub3A_141 = arith.subf %get3A_135, %get3A_140 : vector<16xf32>
      %gt3A_142 = arith.constant -5.000000e-01 : f32
      %gt3A_143 = vector.broadcast %gt3A_142 : f32 to vector<16xf32>
      %gt3A_144 = arith.cmpf ogt, %sub3A_141, %gt3A_143 : vector<16xf32>
      %le3A_145 = arith.constant 5.000000e-01 : f32
      %le3A_146 = vector.broadcast %le3A_145 : f32 to vector<16xf32>
      %le3A_147 = arith.cmpf ole, %sub3A_141, %le3A_146 : vector<16xf32>
      %eq3A_148 = arith.constant 9.900000e+01 : f32
      %eq3A_149 = vector.broadcast %eq3A_148 : f32 to vector<16xf32>
      %eq3A_150 = arith.cmpf oeq, %get3A_140, %eq3A_149 : vector<16xf32>
      %or3A_151 = arith.ori %le3A_147, %eq3A_150 : vector<16xi1>
      %and3A_152 = arith.andi %gt3A_144, %or3A_151 : vector<16xi1>
      %abs3A_153 = math.absf %sub3A_141 : vector<16xf32>
      %add3A_154 = arith.addf %scan3A_47, %abs3A_153 : vector<16xf32>
      %select_n3A_155 = arith.select %and3A_152, %broadcast_in_dim3A_3, %broadcast_in_dim3A_5 : vector<16xi1>, vector<16xf32>
      %add3A_156 = arith.addf %scan3A_55, %select_n3A_155 : vector<16xf32>
      %add3A_157 = arith.constant 64 : i32
      %add3A_158 = arith.addi %mul3A_61, %add3A_157 : i32
      %get3A_159 = arith.index_cast %add3A_158 : i32 to index
      %get3A_160 = tpu.vector_load %arg5[%get3A_159] {strides = array<i32>} : memref<8192xf32, #tpu.memory_space<vmem>>, vector<16xf32>,
      %get3A_161 = vector.shape_cast %get3A_160 : vector<16xf32> to vector<16xf32>
      %add3A_162 = arith.constant 64 : i32
      %add3A_163 = arith.addi %mul3A_61, %add3A_162 : i32
      %get3A_164 = arith.index_cast %add3A_163 : i32 to index
      %get3A_165 = tpu.vector_load %arg6[%get3A_164] {strides = array<i32>} : memref<8192xf32, #tpu.memory_space<vmem>>, vector<16xf32>,
      %get3A_166 = vector.shape_cast %get3A_165 : vector<16xf32> to vector<16xf32>
      %sub3A_167 = arith.subf %get3A_161, %get3A_166 : vector<16xf32>
      %gt3A_168 = arith.constant -5.000000e-01 : f32
      %gt3A_169 = vector.broadcast %gt3A_168 : f32 to vector<16xf32>
      %gt3A_170 = arith.cmpf ogt, %sub3A_167, %gt3A_169 : vector<16xf32>
      %le3A_171 = arith.constant 5.000000e-01 : f32
      %le3A_172 = vector.broadcast %le3A_171 : f32 to vector<16xf32>
      %le3A_173 = arith.cmpf ole, %sub3A_167, %le3A_172 : vector<16xf32>
      %eq3A_174 = arith.constant 9.900000e+01 : f32
      %eq3A_175 = vector.broadcast %eq3A_174 : f32 to vector<16xf32>
      %eq3A_176 = arith.cmpf oeq, %get3A_166, %eq3A_175 : vector<16xf32>
      %or3A_177 = arith.ori %le3A_173, %eq3A_176 : vector<16xi1>
      %and3A_178 = arith.andi %gt3A_170, %or3A_177 : vector<16xi1>
      %abs3A_179 = math.absf %sub3A_167 : vector<16xf32>
      %add3A_180 = arith.addf %scan3A_48, %abs3A_179 : vector<16xf32>
      %select_n3A_181 = arith.select %and3A_178, %broadcast_in_dim3A_3, %broadcast_in_dim3A_5 : vector<16xi1>, vector<16xf32>
      %add3A_182 = arith.addf %scan3A_56, %select_n3A_181 : vector<16xf32>
      %add3A_183 = arith.constant 80 : i32
      %add3A_184 = arith.addi %mul3A_61, %add3A_183 : i32
      %get3A_185 = arith.index_cast %add3A_184 : i32 to index
      %get3A_186 = tpu.vector_load %arg5[%get3A_185] {strides = array<i32>} : memref<8192xf32, #tpu.memory_space<vmem>>, vector<16xf32>,
      %get3A_187 = vector.shape_cast %get3A_186 : vector<16xf32> to vector<16xf32>
      %add3A_188 = arith.constant 80 : i32
      %add3A_189 = arith.addi %mul3A_61, %add3A_188 : i32
      %get3A_190 = arith.index_cast %add3A_189 : i32 to index
      %get3A_191 = tpu.vector_load %arg6[%get3A_190] {strides = array<i32>} : memref<8192xf32, #tpu.memory_space<vmem>>, vector<16xf32>,
      %get3A_192 = vector.shape_cast %get3A_191 : vector<16xf32> to vector<16xf32>
      %sub3A_193 = arith.subf %get3A_187, %get3A_192 : vector<16xf32>
      %gt3A_194 = arith.constant -5.000000e-01 : f32
      %gt3A_195 = vector.broadcast %gt3A_194 : f32 to vector<16xf32>
      %gt3A_196 = arith.cmpf ogt, %sub3A_193, %gt3A_195 : vector<16xf32>
      %le3A_197 = arith.constant 5.000000e-01 : f32
      %le3A_198 = vector.broadcast %le3A_197 : f32 to vector<16xf32>
      %le3A_199 = arith.cmpf ole, %sub3A_193, %le3A_198 : vector<16xf32>
      %eq3A_200 = arith.constant 9.900000e+01 : f32
      %eq3A_201 = vector.broadcast %eq3A_200 : f32 to vector<16xf32>
      %eq3A_202 = arith.cmpf oeq, %get3A_192, %eq3A_201 : vector<16xf32>
      %or3A_203 = arith.ori %le3A_199, %eq3A_202 : vector<16xi1>
      %and3A_204 = arith.andi %gt3A_196, %or3A_203 : vector<16xi1>
      %abs3A_205 = math.absf %sub3A_193 : vector<16xf32>
      %add3A_206 = arith.addf %scan3A_49, %abs3A_205 : vector<16xf32>
      %select_n3A_207 = arith.select %and3A_204, %broadcast_in_dim3A_3, %broadcast_in_dim3A_5 : vector<16xi1>, vector<16xf32>
      %add3A_208 = arith.addf %scan3A_57, %select_n3A_207 : vector<16xf32>
      %add3A_209 = arith.constant 96 : i32
      %add3A_210 = arith.addi %mul3A_61, %add3A_209 : i32
      %get3A_211 = arith.index_cast %add3A_210 : i32 to index
      %get3A_212 = tpu.vector_load %arg5[%get3A_211] {strides = array<i32>} : memref<8192xf32, #tpu.memory_space<vmem>>, vector<16xf32>,
      %get3A_213 = vector.shape_cast %get3A_212 : vector<16xf32> to vector<16xf32>
      %add3A_214 = arith.constant 96 : i32
      %add3A_215 = arith.addi %mul3A_61, %add3A_214 : i32
      %get3A_216 = arith.index_cast %add3A_215 : i32 to index
      %get3A_217 = tpu.vector_load %arg6[%get3A_216] {strides = array<i32>} : memref<8192xf32, #tpu.memory_space<vmem>>, vector<16xf32>,
      %get3A_218 = vector.shape_cast %get3A_217 : vector<16xf32> to vector<16xf32>
      %sub3A_219 = arith.subf %get3A_213, %get3A_218 : vector<16xf32>
      %gt3A_220 = arith.constant -5.000000e-01 : f32
      %gt3A_221 = vector.broadcast %gt3A_220 : f32 to vector<16xf32>
      %gt3A_222 = arith.cmpf ogt, %sub3A_219, %gt3A_221 : vector<16xf32>
      %le3A_223 = arith.constant 5.000000e-01 : f32
      %le3A_224 = vector.broadcast %le3A_223 : f32 to vector<16xf32>
      %le3A_225 = arith.cmpf ole, %sub3A_219, %le3A_224 : vector<16xf32>
      %eq3A_226 = arith.constant 9.900000e+01 : f32
      %eq3A_227 = vector.broadcast %eq3A_226 : f32 to vector<16xf32>
      %eq3A_228 = arith.cmpf oeq, %get3A_218, %eq3A_227 : vector<16xf32>
      %or3A_229 = arith.ori %le3A_225, %eq3A_228 : vector<16xi1>
      %and3A_230 = arith.andi %gt3A_222, %or3A_229 : vector<16xi1>
      %abs3A_231 = math.absf %sub3A_219 : vector<16xf32>
      %add3A_232 = arith.addf %scan3A_50, %abs3A_231 : vector<16xf32>
      %select_n3A_233 = arith.select %and3A_230, %broadcast_in_dim3A_3, %broadcast_in_dim3A_5 : vector<16xi1>, vector<16xf32>
      %add3A_234 = arith.addf %scan3A_58, %select_n3A_233 : vector<16xf32>
      %add3A_235 = arith.constant 112 : i32
      %add3A_236 = arith.addi %mul3A_61, %add3A_235 : i32
      %get3A_237 = arith.index_cast %add3A_236 : i32 to index
      %get3A_238 = tpu.vector_load %arg5[%get3A_237] {strides = array<i32>} : memref<8192xf32, #tpu.memory_space<vmem>>, vector<16xf32>,
      %get3A_239 = vector.shape_cast %get3A_238 : vector<16xf32> to vector<16xf32>
      %add3A_240 = arith.constant 112 : i32
      %add3A_241 = arith.addi %mul3A_61, %add3A_240 : i32
      %get3A_242 = arith.index_cast %add3A_241 : i32 to index
      %get3A_243 = tpu.vector_load %arg6[%get3A_242] {strides = array<i32>} : memref<8192xf32, #tpu.memory_space<vmem>>, vector<16xf32>,
      %get3A_244 = vector.shape_cast %get3A_243 : vector<16xf32> to vector<16xf32>
      %sub3A_245 = arith.subf %get3A_239, %get3A_244 : vector<16xf32>
      %gt3A_246 = arith.constant -5.000000e-01 : f32
      %gt3A_247 = vector.broadcast %gt3A_246 : f32 to vector<16xf32>
      %gt3A_248 = arith.cmpf ogt, %sub3A_245, %gt3A_247 : vector<16xf32>
      %le3A_249 = arith.constant 5.000000e-01 : f32
      %le3A_250 = vector.broadcast %le3A_249 : f32 to vector<16xf32>
      %le3A_251 = arith.cmpf ole, %sub3A_245, %le3A_250 : vector<16xf32>
      %eq3A_252 = arith.constant 9.900000e+01 : f32
      %eq3A_253 = vector.broadcast %eq3A_252 : f32 to vector<16xf32>
      %eq3A_254 = arith.cmpf oeq, %get3A_244, %eq3A_253 : vector<16xf32>
      %or3A_255 = arith.ori %le3A_251, %eq3A_254 : vector<16xi1>
      %and3A_256 = arith.andi %gt3A_248, %or3A_255 : vector<16xi1>
      %abs3A_257 = math.absf %sub3A_245 : vector<16xf32>
      %add3A_258 = arith.addf %scan3A_51, %abs3A_257 : vector<16xf32>
      %select_n3A_259 = arith.select %and3A_256, %broadcast_in_dim3A_3, %broadcast_in_dim3A_5 : vector<16xi1>, vector<16xf32>
      %add3A_260 = arith.addf %scan3A_59, %select_n3A_259 : vector<16xf32>
      scf.yield %add3A_77, %add3A_102, %add3A_128, %add3A_154, %add3A_180, %add3A_206, %add3A_232, %add3A_258, %add3A_78, %add3A_104, %add3A_130, %add3A_156, %add3A_182, %add3A_208, %add3A_234, %add3A_260 : vector<16xf32>, vector<16xf32>, vector<16xf32>, vector<16xf32>, vector<16xf32>, vector<16xf32>, vector<16xf32>, vector<16xf32>, vector<16xf32>, vector<16xf32>, vector<16xf32>, vector<16xf32>, vector<16xf32>, vector<16xf32>, vector<16xf32>, vector<16xf32>
    }
    %scan3A_10 = arith.constant 64 : i32
    %add3A_11 = arith.addf %scan3A_9#0, %scan3A_9#1 : vector<16xf32>
    %add3A_12 = arith.addf %scan3A_9#8, %scan3A_9#9 : vector<16xf32>
    %add3A_13 = arith.addf %add3A_11, %scan3A_9#2 : vector<16xf32>
    %add3A_14 = arith.addf %add3A_12, %scan3A_9#10 : vector<16xf32>
    %add3A_15 = arith.addf %add3A_13, %scan3A_9#3 : vector<16xf32>
    %add3A_16 = arith.addf %add3A_14, %scan3A_9#11 : vector<16xf32>
    %add3A_17 = arith.addf %add3A_15, %scan3A_9#4 : vector<16xf32>
    %add3A_18 = arith.addf %add3A_16, %scan3A_9#12 : vector<16xf32>
    %add3A_19 = arith.addf %add3A_17, %scan3A_9#5 : vector<16xf32>
    %add3A_20 = arith.addf %add3A_18, %scan3A_9#13 : vector<16xf32>
    %add3A_21 = arith.addf %add3A_19, %scan3A_9#6 : vector<16xf32>
    %add3A_22 = arith.addf %add3A_20, %scan3A_9#14 : vector<16xf32>
    %add3A_23 = arith.addf %add3A_21, %scan3A_9#7 : vector<16xf32>
    %add3A_24 = arith.addf %add3A_22, %scan3A_9#15 : vector<16xf32>
    %swap3A = arith.constant 0 : i32
    %swap3A_25 = arith.index_cast %swap3A : i32 to index
    %swap3A_26 = arith.constant 0 : index
    %swap3A_27 = tpu.vector_load %arg7[%swap3A_25, %swap3A_26] {strides = array<i32>} : memref<2x16xf32, #tpu.memory_space<vmem>>, vector<1x16xf32>,
    %swap3A_28 = vector.shape_cast %swap3A_27 : vector<1x16xf32> to vector<16xf32>
    %swap3A_29 = vector.shape_cast %add3A_23 : vector<16xf32> to vector<1x16xf32>
    tpu.vector_store %arg7[%swap3A_25, %swap3A_26], %swap3A_29 {strides = array<i32>} : memref<2x16xf32, #tpu.memory_space<vmem>>, vector<1x16xf32>,
    %swap3A_30 = arith.constant 1 : i32
    %swap3A_31 = arith.index_cast %swap3A_30 : i32 to index
    %swap3A_32 = arith.constant 0 : index
    %swap3A_33 = tpu.vector_load %arg7[%swap3A_31, %swap3A_32] {strides = array<i32>} : memref<2x16xf32, #tpu.memory_space<vmem>>, vector<1x16xf32>,
    %swap3A_34 = vector.shape_cast %swap3A_33 : vector<1x16xf32> to vector<16xf32>
    %swap3A_35 = vector.shape_cast %add3A_24 : vector<16xf32> to vector<1x16xf32>
    tpu.vector_store %arg7[%swap3A_31, %swap3A_32], %swap3A_35 {strides = array<i32>} : memref<2x16xf32, #tpu.memory_space<vmem>>, vector<1x16xf32>,
    %mul3A_36 = arith.constant 16 : i32
    %mul3A_37 = arith.muli %add3A, %mul3A_36 : i32
    %run_scoped3A = arith.constant 0 : i32
    "tpu.region"() ({
      %run_scoped3A_43 = tpu.sem_alloc : memref<!tpu.dma_semaphore, #tpu.memory_space<semaphore_mem>>
      %dma_start3A = arith.constant 0 : i32
      %dma_start3A_44 = tpu.memref_slice %arg7[%run_scoped3A, %dma_start3A] : memref<2x16xf32, #tpu.memory_space<vmem>> -> memref<1x16xf32, #tpu.memory_space<vmem>>
      %dma_start3A_45 = tpu.memref_squeeze %dma_start3A_44 : memref<1x16xf32, #tpu.memory_space<vmem>> -> memref<16xf32, #tpu.memory_space<vmem>>
      %dma_start3A_46 = tpu.memref_slice %arg4[%mul3A_37] : memref<1024xf32, #tpu.memory_space<hbm>> -> memref<16xf32, #tpu.memory_space<hbm>>
      %dma_start3A_47 = tpu.memref_slice %arg4[%mul3A_37] : memref<1024xf32, #tpu.memory_space<hbm>> -> memref<16xf32, #tpu.memory_space<hbm>>
      %dma_start3A_48 = arith.constant 0 : i32
      %dma_start3A_49 = tpu.memref_slice %arg7[%run_scoped3A, %dma_start3A_48] : memref<2x16xf32, #tpu.memory_space<vmem>> -> memref<1x16xf32, #tpu.memory_space<vmem>>
      %dma_start3A_50 = tpu.memref_squeeze %dma_start3A_49 : memref<1x16xf32, #tpu.memory_space<vmem>> -> memref<16xf32, #tpu.memory_space<vmem>>
      tpu.enqueue_dma source(%dma_start3A_50 : memref<16xf32, #tpu.memory_space<vmem>>) target(%dma_start3A_47 : memref<16xf32, #tpu.memory_space<hbm>>) target_semaphore(%run_scoped3A_43 : memref<!tpu.dma_semaphore, #tpu.memory_space<semaphore_mem>>)
      %dma_wait3A = arith.constant 0 : i32
      %dma_wait3A_51 = tpu.memref_slice %arg7[%run_scoped3A, %dma_wait3A] : memref<2x16xf32, #tpu.memory_space<vmem>> -> memref<1x16xf32, #tpu.memory_space<vmem>>
      %dma_wait3A_52 = tpu.memref_squeeze %dma_wait3A_51 : memref<1x16xf32, #tpu.memory_space<vmem>> -> memref<16xf32, #tpu.memory_space<vmem>>
      %dma_wait3A_53 = tpu.memref_slice %arg4[%mul3A_37] : memref<1024xf32, #tpu.memory_space<hbm>> -> memref<16xf32, #tpu.memory_space<hbm>>
      %dma_wait3A_54 = tpu.memref_slice %arg4[%mul3A_37] : memref<1024xf32, #tpu.memory_space<hbm>> -> memref<16xf32, #tpu.memory_space<hbm>>
      %dma_wait3A_55 = arith.constant 0 : i32
      %dma_wait3A_56 = tpu.memref_slice %arg7[%run_scoped3A, %dma_wait3A_55] : memref<2x16xf32, #tpu.memory_space<vmem>> -> memref<1x16xf32, #tpu.memory_space<vmem>>
      %dma_wait3A_57 = tpu.memref_squeeze %dma_wait3A_56 : memref<1x16xf32, #tpu.memory_space<vmem>> -> memref<16xf32, #tpu.memory_space<vmem>>
      tpu.wait_dma2 semaphore(%run_scoped3A_43 : memref<!tpu.dma_semaphore, #tpu.memory_space<semaphore_mem>>) src(%dma_wait3A_57 : memref<16xf32, #tpu.memory_space<vmem>>) dst(%dma_wait3A_54 : memref<16xf32, #tpu.memory_space<hbm>>)
      tpu.yield
    }) : () -> ()
    %mul3A_38 = arith.constant 16 : i32
    %mul3A_39 = arith.muli %add3A, %mul3A_38 : i32
    %add3A_40 = arith.constant 512 : i32
    %add3A_41 = arith.addi %add3A_40, %mul3A_39 : i32
    %run_scoped3A_42 = arith.constant 1 : i32
    "tpu.region"() ({
      %run_scoped3A_43 = tpu.sem_alloc : memref<!tpu.dma_semaphore, #tpu.memory_space<semaphore_mem>>
      %dma_start3A = arith.constant 0 : i32
      %dma_start3A_44 = tpu.memref_slice %arg7[%run_scoped3A_42, %dma_start3A] : memref<2x16xf32, #tpu.memory_space<vmem>> -> memref<1x16xf32, #tpu.memory_space<vmem>>
      %dma_start3A_45 = tpu.memref_squeeze %dma_start3A_44 : memref<1x16xf32, #tpu.memory_space<vmem>> -> memref<16xf32, #tpu.memory_space<vmem>>
      %dma_start3A_46 = tpu.memref_slice %arg4[%add3A_41] : memref<1024xf32, #tpu.memory_space<hbm>> -> memref<16xf32, #tpu.memory_space<hbm>>
      %dma_start3A_47 = tpu.memref_slice %arg4[%add3A_41] : memref<1024xf32, #tpu.memory_space<hbm>> -> memref<16xf32, #tpu.memory_space<hbm>>
      %dma_start3A_48 = arith.constant 0 : i32
      %dma_start3A_49 = tpu.memref_slice %arg7[%run_scoped3A_42, %dma_start3A_48] : memref<2x16xf32, #tpu.memory_space<vmem>> -> memref<1x16xf32, #tpu.memory_space<vmem>>
      %dma_start3A_50 = tpu.memref_squeeze %dma_start3A_49 : memref<1x16xf32, #tpu.memory_space<vmem>> -> memref<16xf32, #tpu.memory_space<vmem>>
      tpu.enqueue_dma source(%dma_start3A_50 : memref<16xf32, #tpu.memory_space<vmem>>) target(%dma_start3A_47 : memref<16xf32, #tpu.memory_space<hbm>>) target_semaphore(%run_scoped3A_43 : memref<!tpu.dma_semaphore, #tpu.memory_space<semaphore_mem>>)
      %dma_wait3A = arith.constant 0 : i32
      %dma_wait3A_51 = tpu.memref_slice %arg7[%run_scoped3A_42, %dma_wait3A] : memref<2x16xf32, #tpu.memory_space<vmem>> -> memref<1x16xf32, #tpu.memory_space<vmem>>
      %dma_wait3A_52 = tpu.memref_squeeze %dma_wait3A_51 : memref<1x16xf32, #tpu.memory_space<vmem>> -> memref<16xf32, #tpu.memory_space<vmem>>
      %dma_wait3A_53 = tpu.memref_slice %arg4[%add3A_41] : memref<1024xf32, #tpu.memory_space<hbm>> -> memref<16xf32, #tpu.memory_space<hbm>>
      %dma_wait3A_54 = tpu.memref_slice %arg4[%add3A_41] : memref<1024xf32, #tpu.memory_space<hbm>> -> memref<16xf32, #tpu.memory_space<hbm>>
      %dma_wait3A_55 = arith.constant 0 : i32
      %dma_wait3A_56 = tpu.memref_slice %arg7[%run_scoped3A_42, %dma_wait3A_55] : memref<2x16xf32, #tpu.memory_space<vmem>> -> memref<1x16xf32, #tpu.memory_space<vmem>>
      %dma_wait3A_57 = tpu.memref_squeeze %dma_wait3A_56 : memref<1x16xf32, #tpu.memory_space<vmem>> -> memref<16xf32, #tpu.memory_space<vmem>>
      tpu.wait_dma2 semaphore(%run_scoped3A_43 : memref<!tpu.dma_semaphore, #tpu.memory_space<semaphore_mem>>) src(%dma_wait3A_57 : memref<16xf32, #tpu.memory_space<vmem>>) dst(%dma_wait3A_54 : memref<16xf32, #tpu.memory_space<hbm>>)
      tpu.yield
    }) : () -> ()
    return
  }
}

</mosaic_0001>

<sc_bundles>
// kernel: _focus_metrics.3.cloned.1.call-start
scs
__scs_entry_jumppad:
0x0: {  	(pc) =	sbr.rel $0x88, $3  }
0x1: {  	(tag) =	ssettag $0x0;
	lr =	simm.s32 $0x1  }
0x2: {  	[smem:$0x3F9F] =	sst lr;
	_ =	strace $0xD0000000  }
0x3: {  	_ = 	snop  }
0x4: {  	_ = 	snop  }
0x5: {  	_ = 	snop  }
0x6: {  	_ = 	snop  }
0x7: {  	_ = 	snop  }
__scs_overlays_trampoline_lowered:
0x8: {  	[smem:$0x3FAE] =	sst s0  }
0x9: {  	[smem:$0x3FAF] =	sst s1  }
0xa: {  	[smem:$0x3FB0] =	sst s2  }
0xb: {  	[smem:$0x3FB1] =	sst s3  }
0xc: {  	[smem:$0x3FB2] =	sst s4  }
0xd: {  	[smem:$0x3FB3] =	sst s5  }
0xe: {  	[smem:$0x3FB4] =	sst s6  }
0xf: {  	[smem:$0x3FB5] =	sst s7  }
0x10: {  	[smem:$0x3FB6] =	sst s8  }
0x11: {  	[smem:$0x3FB7] =	sst s9;
	s0 =	simm.s32 @!p0 $0x0  }
0x12: {  	s1 =	sld [smem:$0x3F9D];
	s0 =	simm.s32 @p0 $0x1  }
0x13: {  	[smem:$0x3FB8] =	sst s0;
	s0 =	simm.s32 @!p1 $0x0  }
0x14: {  	s2 =	sld [smem:$0x3F9C];
	s0 =	simm.s32 @p1 $0x1  }
0x15: {  	[smem:$0x3FB9] =	sst s0;
	s0 =	simm.s32 @!p2 $0x0  }
0x16: {  	s3 =	sld [smem:$0x3FDB];
	s0 =	simm.s32 @p2 $0x1  }
0x17: {  	s4 =	simm.s32 $0x1BF5;
	[smem:$0x3FBB] =	sst s0  }
0x18: {  	s0 =	sld [smem:$0x3F9E];
	_ =	swait.ge [sflag:s4], $0x0  }
0x19: {  	s7 =	sld [smem:$0x3F9F]  }
0x1a: {  	s8 =	sadd.s32 $0xFFFFE003, lr  }
0x1b: {  	s9 =	sadd.s32 $0xFFFFFEF7, lr;
	s5 =	simm.s32 $0xFFFFFFFF;
	p2 =	slt.u32 s8, $0xFFFFF086  }
0x1c: {  	p1 =	slt.u32 s9, $0xF7A;
	s5 =	simm.s32 @!p2 $0x0  }
0x1d: {  	s5 =	simm.s32 @p1 $0x1;
	p0 =	seq.s32 s7, s2  }
0x1e: {  	s7 =	smul.u32 @!p0 $0xF7A, s2;
	p2 =	seq.s32 @!p0 s5, $0x0  }
0x1f: {  	s9 =	smul.u32 $0xF7A, s1;
	s8 =	simm.s32 @!p0 $0x1BF5;
	p2 =	por !p2, p0  }
0x20: {  	[sflag:s8] =	ssyncset.s32 @!p0 $0xFFFFF086;
	s6 =	sadd.s32 @!p0 s3, s7;
	s7 =	simm.s32 @!p0 $0x108  }
0x21: {  	s3 =	sadd.s32 s3, s9;
	s6 =	sadd.s32 @!p0 $0x88, s6;
	s7 =	simm.s32 @p2 $0x1082  }
0x22: {  	[simem:s7], [sflag:s8] =	dma.local @!p0 [hbm:s6], $0xF7A  }
0x23: {  	s9 =	sor.u32 $0xD0000000, s2;
	s6 =	simm.s32 $0x108;
	_ =	swait.ge @!p0 [sflag:s8], $0x0  }
0x24: {  	s3 =	sadd.s32 $0x88, s3;
	s6 =	simm.s32 @!p1 $0x1082;
	[sflag:s4] =	ssyncset.s32 $0xFFFFF086  }
0x25: {  	[simem:s6], [sflag:s4] =	dma.local [hbm:s3], $0xF7A  }
0x26: {  	[smem:$0x3F9F] =	sst s1;
	(tag) =	ssettag s2;
	_ =	strace s9  }
0x27: {  	s1 =	sld [smem:$0x3FAF]  }
0x28: {  	s2 =	sld [smem:$0x3FB0]  }
0x29: {  	s4 =	sld [smem:$0x3FB2]  }
0x2a: {  	p0 =	seq.s32 s5, $0x0;
	s5 =	sld [smem:$0x3FB3]  }
0x2b: {  	s6 =	sld [smem:$0x3FB4]  }
0x2c: {  	s7 =	sld [smem:$0x3FB5]  }
0x2d: {  	s3 =	simm.s32 $0x108;
	s8 =	sld [smem:$0x3FB6]  }
0x2e: {  	s3 =	simm.s32 @!p0 $0x1082;
	s9 =	sld [smem:$0x3FB7]  }
0x2f: {  	lr =	sadd.s32 s0, s3;
	s0 =	sld [smem:$0x3FAE]  }
0x30: {  	s3 =	sld [smem:$0x3FB1]  }
0x31: {  	[smem:$0x3FBA] =	sst s10  }
0x32: {  	s10 =	sld [smem:$0x3FB8];
	_ =	sdelay $0x3  }
0x33: {  	p0 =	seq.s32 s10, $0x1;
	s10 =	sld [smem:$0x3FBA];
	_ =	sdelay $0x3  }
0x34: {  	[smem:$0x3FBA] =	sst s10  }
0x35: {  	s10 =	sld [smem:$0x3FB9];
	_ =	sdelay $0x3  }
0x36: {  	p1 =	seq.s32 s10, $0x1;
	s10 =	sld [smem:$0x3FBA];
	_ =	sdelay $0x3  }
0x37: {  	[smem:$0x3FBA] =	sst s10  }
0x38: {  	s10 =	sld [smem:$0x3FBB]  }
0x39: {  	_ = 	snop;
	(pc) =	sbr.ind lr, $3  }
0x3a: {  	_ = 	snop  }
0x3b: {  	_ = 	snop  }
0x3c: {  	p2 =	seq.s32 s10, $0x1;
	s10 =	sld [smem:$0x3FBA]  }
0x3d: {  	_ =	shalt  }
0x3e: {  	_ =	shalt  }
0x3f: {  	_ =	shalt  }
0x40: {  	_ =	shalt  }
0x41: {  	_ =	shalt  }
0x42: {  	_ =	shalt  }
0x43: {  	_ =	shalt  }
0x44: {  	_ =	shalt  }
0x45: {  	_ =	shalt  }
0x46: {  	_ =	shalt  }
0x47: {  	_ =	shalt  }
0x48: {  	_ =	shalt  }
0x49: {  	_ =	shalt  }
0x4a: {  	_ =	shalt  }
0x4b: {  	_ =	shalt  }
0x4c: {  	_ =	shalt  }
0x4d: {  	_ =	shalt  }
0x4e: {  	_ =	shalt  }
0x4f: {  	_ =	shalt  }
0x50: {  	_ =	shalt  }
0x51: {  	_ =	shalt  }
0x52: {  	_ =	shalt  }
0x53: {  	_ =	shalt  }
0x54: {  	_ =	shalt  }
0x55: {  	_ =	shalt  }
0x56: {  	_ =	shalt  }
0x57: {  	_ =	shalt  }
0x58: {  	_ =	shalt  }
0x59: {  	_ =	shalt  }
0x5a: {  	_ =	shalt  }
0x5b: {  	_ =	shalt  }
0x5c: {  	_ =	shalt  }
0x5d: {  	_ =	shalt  }
0x5e: {  	_ =	shalt  }
0x5f: {  	_ =	shalt  }
0x60: {  	_ =	shalt  }
0x61: {  	_ =	shalt  }
0x62: {  	_ =	shalt  }
0x63: {  	_ =	shalt  }
0x64: {  	_ =	shalt  }
0x65: {  	_ =	shalt  }
0x66: {  	_ =	shalt  }
0x67: {  	_ =	shalt  }
0x68: {  	_ =	shalt  }
0x69: {  	_ =	shalt  }
0x6a: {  	_ =	shalt  }
0x6b: {  	_ =	shalt  }
0x6c: {  	_ =	shalt  }
0x6d: {  	_ =	shalt  }
0x6e: {  	_ =	shalt  }
0x6f: {  	_ =	shalt  }
0x70: {  	_ =	shalt  }
0x71: {  	_ =	shalt  }
0x72: {  	_ =	shalt  }
0x73: {  	_ =	shalt  }
0x74: {  	_ =	shalt  }
0x75: {  	_ =	shalt  }
0x76: {  	_ =	shalt  }
0x77: {  	_ =	shalt  }
0x78: {  	_ =	shalt  }
0x79: {  	_ =	shalt  }
0x7a: {  	_ =	shalt  }
0x7b: {  	_ =	shalt  }
0x7c: {  	_ =	shalt  }
0x7d: {  	_ =	shalt  }
0x7e: {  	_ =	shalt  }
0x7f: {  	_ =	shalt  }
0x80: {  	_ =	shalt  }
0x81: {  	_ =	shalt  }
0x82: {  	_ =	shalt  }
0x83: {  	_ =	shalt  }
0x84: {  	_ =	shalt  }
0x85: {  	_ =	shalt  }
0x86: {  	_ =	shalt  }
0x87: {  	_ =	shalt  }
.Lfunc_end0:
.L_simem_size_0:
called_computation_lowered:
.L_overlay_start_0:
0x88: {  	s2 =	sld [smem:$0x3FD9]  }
0x89: {  	s3 =	sld [smem:$0x3FFE];
	_ =	sdelay $0x1  }
0x8a: {  	s1 =	srdreg.scid  }
0x8b: {  	s0 =	sand.u32 $0x1, s1  }
0x8c: {  	s17 =	sshll.u32 s0, $0xA;
	s2 =	sadd.s32 s3, s2  }
0x8d: {  	s2 =	sadd.s32 s2, s17  }
0x8e: {  	[smem:$0x3FC6] =	sst s2  }
0x8f: {  	_ = 	snop  }
0x90: {  	s2 =	sld [smem:$0x3FC9]  }
0x91: {  	s18 =	sld [smem:$0x3FC8];
	(tm) =	ssettm $0x1  }
0x92: {  	s4 =	sld [smem:$0x3FFB];
	_ =	sdelay $0x3  }
0x93: {  	_ =	strace s4  }
0x94: {  	s4 =	sld [smem:$0x3FFC];
	_ =	sdelay $0x3  }
0x95: {  	_ =	strace s4  }
0x96: {  	s4 =	sld [smem:$0x3FFD];
	_ =	sdelay $0x3  }
0x97: {  	_ =	strace s4  }
0x98: {  	_ =	strace $0x8FFFFFFF  }
0x99: {  	s19 =	sld [smem:$0x3FDB];
	_ =	sdelay $0x1  }
0x9a: {  	s5 =	simm.s32 $_scs_section_size  }
0x9b: {  	s6 =	simm.s32 $_size__tile_overlayer_lowered;
	s7 =	simm.s32 $_tile_overlayer_lowered  }
0x9c: {  	s22 =	simm.s32 $0x1BFF;
	s21 =	sshll.u32 s7, $0x1;
	s4 =	sadd.s32 s5, s19  }
0x9d: {  	s8 =	simm.s32 $0x0;
	s20 =	sshll.u32 s6, $0x1;
	s6 =	sadd.s32 s21, s4  }
0x9e: {  	[timem:s8], [sflag:s22] =	dma.local [hbm:s6], s20  }
0x9f: {  	_ =	swait.ge [sflag:s22], s20  }
0xa0: {  	s5 =	ssub.s32 $0x0, s20;
	[sflag:s22] =	ssyncset.done $0x0  }
0xa1: {  	[sflag:s22] =	ssyncadd.s32 s5;
	_ =	sdelay $0x1  }
0xa2: {  	s23 =	simm.s32 $0x1B8B  }
0xa3: {  	_ =	swait.ge [sflag:s23], $0x1  }
0xa4: {  	[sflag:s23] =	ssyncset.done $0x0  }
0xa5: {  	s25 =	simm.s32 $0x1B8E;
	s24 =	sld [smem:$0x3FFE];
	[sflag:s23] =	ssyncadd.s32 $0xFFFFFFFF  }
0xa6: {  	s26 =	simm.s32 $execute0_lowered;
	[smem:$0x3FD2] =	sst s25  }
0xa7: {  	s6 =	sshll.u32 s26, $0x1;
	_ =	strace $0x80000046;
	[dreg:$0x1] =	wrdreg $0xFFFFFFFF  }
0xa8: {  	s28 =	simm.s32 $_size_execute0_lowered;
	s4 =	sadd.s32 s4, s6;
	[dreg:$0x0] =	wrdreg $0x0  }
0xa9: {  	s6 =	sshll.u32 s28, $0x1;
	[dreg:$0x2] =	wrdreg s4  }
0xaa: {  	[dreg:$0x3] =	wrdreg s6  }
0xab: {  	[dreg:$0x4] =	wrdreg $0xC0  }
0xac: {  	_ =	task [dreg:s8], $0x5FFFF  }
0xad: {  	[dreg:$0x1] =	wrdreg $0xFFFFFFFF  }
0xae: {  	[dreg:$0x0] =	wrdreg $0x60  }
0xaf: {  	[dreg:$0x2] =	wrdreg s2  }
0xb0: {  	[dreg:$0x3] =	wrdreg s18  }
0xb1: {  	[dreg:$0x4] =	wrdreg s24  }
0xb2: {  	[dreg:$0x5] =	wrdreg $0x9  }
0xb3: {  	_ =	task.clear_ibuf [dreg:s8], $0x6FFFF;
	_ =	strace $0x90000046  }
0xb4: {  	s29 =	simm.s32 $0x9;
	_ =	strace $0x80000048  }
0xb5: {  	_ =	swait.ge [sflag:s29], $0x1  }
0xb6: {  	[sflag:s29] =	ssyncadd.s32 $0xFFFFFFFF  }
0xb7: {  	_ =	strace $0x90000048  }
0xb8: {  	_ =	sfence  }
0xb9: {  	s30 =	sld [smem:$0x0];
	_ =	sdelay $0x2  }
0xba: {  	s31 =	sshll.u32 s1, $0xD;
	s1 =	sshrl.u32 s1, $0x2  }
0xbb: {  	s3 =	sand.u32 $0x4000, s31;
	s1 =	sadd.s32 s1, s30  }
0xbc: {  	s0 =	sor.u32 s3, s0;
	s1 =	sshll.u32 s1, $0x11  }
0xbd: {  	s0 =	sor.u32 s1, s0  }
0xbe: {  	s0 =	sadd.s32 $0x8F2B, s0  }
0xbf: {  	[sflag:s0] =	ssyncadd.remote.s32 $0x1  }
0xc0: {  	_ =	sfence.sel $0xFFFF  }
0xc1: {  	[dreg:$0x0] =	wrdreg $0xFFFFFFFF;
	(pc) =	sbr.abs _section_cstart, $3  }
0xc2: {  	[dreg:$0x1] =	wrdreg $0xFFFFFFFF  }
0xc3: {  	_ =	task.clear_ibuf [dreg:s8], $0x2FFFF;
	_ =	strace $0x9FFFFFFF  }
0xc4: {  	(tm) =	ssettm $0x7FFFFFFF  }
0xc5: {  	_ =	shalt  }
tec
execute0_lowered:
.L_overlay_start_1:
0x0: {  	(tag) =	ssettag $0x1  }
0x1: {  	s3 =	rddreg [dreg:$0x0]  }
0x2: {  	s4 =	rddreg [dreg:$0x1]  }
0x3: {  	s5 =	rddreg [dreg:$0x2]  }
0x4: {  	s0 =	rddreg [dreg:$0x3]  }
0x5: {  	s2 =	simm.s32 $0x0;
	s6 =	srdreg.scid;
	s1 =	stileid.u32  }
0x6: {  	s10 =	simm.s32 $0x4000;
	s11 =	simm.s32 $0x4080;
	s12 =	simm.s32 $0x0  }
0x7: {  	[smem:$0x7FF] =	sst s2;
	s6 =	sand.u32 $0x1, s6;
	s7 =	sshll.u32 s1, $0x1  }
0x8: {  	_ =	strace $0x80000047;
	s7 =	sor.u32 s6, s7;
	s6 =	ssub.s32 $0x2, s6  }
0x9: {  	s8 =	sshll.u32 s7, $0x1;
	s9 =	sshrl.u32 s6, $0x1;
	s7 =	sshll.u32 s7, $0xA  }
0xa: {  	s8 =	sadd.s32 s8, s5;
	s9 =	ssub.s32 s6, s9;
	s3 =	sadd.s32 s3, s7  }
0xb: {  	s4 =	sadd.s32 s4, s7;
	s5 =	sadd.s32 $0x200, s8;
	s6 =	sadd.s32 $0x240, s8  }
0xc: {  	v0 =	vimm.f32 $0.0e+00;
	s7 =	smax.u32 s9, $0x1;
	s8 =	simm.s32 $0x1;
	s9 =	simm.s32 $0x2000  }
.LBB2_1:
0xd: {  	[tilespmem:s2], [sflag:$0x1] =	stream.linear.gather [hbm4b:s3+s2], $0x2000, $0x38;
	[tilespmem:$0x4100] =	vst v63  }
0xe: {  	_ =	swait.ge [sflag:s8], $0x2000  }
0xf: {  	[sflag:s8] =	ssyncset.done $0x0  }
0x10: {  	[sflag:s8] =	ssyncadd.s32 $0xFFFFE000  }
0x11: {  	[tilespmem:s9], [sflag:$0x1] =	stream.linear.gather [hbm4b:s4+s2], $0x2000, $0x38;
	[tilespmem:$0x4100] =	vst v63  }
0x12: {  	_ =	swait.ge [sflag:s8], $0x2000  }
0x13: {  	[sflag:s8] =	ssyncset.done $0x0  }
0x14: {  	s13 =	simm.s32 $0x0;
	[sflag:s8] =	ssyncadd.s32 $0xFFFFE000  }
0x15: {  	v2 =	vld [tilespmem:s13+$0x2010]  }
0x16: {  	v3 =	vld [tilespmem:s13+$0x2070]  }
0x17: {  	v1 =	vld [tilespmem:s13+$0x2000]  }
0x18: {  	v4 =	vld [tilespmem:s13+$0x2020]  }
0x19: {  	v5 =	vld [tilespmem:s13+$0x2030]  }
0x1a: {  	v6 =	vld [tilespmem:s13+$0x0]  }
0x1b: {  	v7 =	vld [tilespmem:s13+$0x40]  }
0x1c: {  	v8 =	vld [tilespmem:s13+$0x2060]  }
0x1d: {  	v9 =	vld [tilespmem:s13+$0x10]  }
0x1e: {  	v10 =	vld [tilespmem:s13+$0x2040]  }
0x1f: {  	v11 =	vld [tilespmem:s13+$0x30]  }
0x20: {  	v12 =	vld [tilespmem:s13+$0x20]  }
0x21: {  	v13 =	vld [tilespmem:s13+$0x50]  }
0x22: {  	v15 =	vimm.f32 $0.0e+00;
	v14 =	vld [tilespmem:s13+$0x2050]  }
0x23: {  	v16 =	vimm.f32 $0.0e+00;
	v6 =	vsub.f32 v6, v1;
	vm4 =	veq.f32 v5, $9.900000000e+01  }
0x24: {  	vm1 =	veq.f32 v1, $9.900000000e+01;
	vm6 =	veq.f32 v4, $9.900000000e+01;
	vm0 =	veq.f32 v3, $9.900000000e+01  }
0x25: {  	vm7 =	veq.f32 v2, $9.900000000e+01;
	v22 =	vsub.f32 v9, v2;
	v2 =	vsub.f32 v7, v10  }
0x26: {  	vm8 =	veq.f32 v10, $9.900000000e+01;
	v5 =	vsub.f32 v11, v5;
	vm5 =	veq.f32 v8, $9.900000000e+01  }
0x27: {  	v19 =	vsub.f32 v12, v4;
	v18 =	vsub.f32 v13, v14;
	v11 =	vimm.f32 $0.0e+00  }
0x28: {  	v13 =	vimm.f32 $0.0e+00;
	v12 =	vimm.f32 $0.0e+00;
	vm2 =	vle.f32 v6, $5.000000000e-01  }
0x29: {  	v1 =	vand.u32 $0x7FFFFFFF, v6;
	v9 =	vand.u32 $0x7FFFFFFF, v22;
	vm9 =	vle.f32 v5, $5.000000000e-01  }
0x2a: {  	v23 =	vand.u32 $0x7FFFFFFF, v2;
	vm10 =	vle.f32 v19, $5.000000000e-01;
	vm3 =	vgt.f32 v5, $-5.000000000e-01  }
0x2b: {  	vm11 =	vle.f32 v2, $5.000000000e-01;
	v4 =	vand.u32 $0x7FFFFFFF, v5;
	v20 =	vand.u32 $0x7FFFFFFF, v18  }
0x2c: {  	v7 =	vld [tilespmem:s13+$0x70];
	vm1 =	vmor vm1, vm2;
	v1 =	vadd.f32 v1, v0;
	vm2 =	vgt.f32 v6, $-5.000000000e-01  }
0x2d: {  	v6 =	vld [tilespmem:s13+$0x60];
	vm4 =	vmor vm4, vm9;
	vm8 =	vmor vm8, vm11;
	v5 =	vadd.f32 v4, v0  }
0x2e: {  	v10 =	vadd.f32 v9, v0;
	vm6 =	vmor vm6, vm10;
	vm10 =	vgt.f32 v2, $-5.000000000e-01  }
0x2f: {  	v9 =	vimm.f32 $0.0e+00;
	v4 =	vimm.f32 $0.0e+00;
	vm1 =	vmand vm2, vm1  }
0x30: {  	v2 =	vimm.f32 $0.0e+00;
	vm2 =	vle.f32 v22, $5.000000000e-01;
	v17 =	vsel vm1, $0x3F800000, v0  }
0x31: {  	vm1 =	veq.f32 v14, $9.900000000e+01;
	vm7 =	vmor vm7, vm2;
	vm2 =	vle.f32 v18, $5.000000000e-01  }
0x32: {  	v21 =	vsub.f32 v7, v3;
	v14 =	vimm.f32 $0.0e+00;
	v25 =	vsub.f32 v6, v8  }
0x33: {  	v3 =	vimm.f32 $0.0e+00;
	v7 =	vimm.f32 $0.0e+00;
	v6 =	vimm.f32 $0.0e+00  }
0x34: {  	s13 =	simm.s32 $0x200;
	v8 =	vimm.f32 $0.0e+00;
	vm9 =	vle.f32 v25, $5.000000000e-01;
	v24 =	vand.u32 $0x7FFFFFFF, v25  }
.LBB2_2:
0x35: {  	s14 =	sshra.s32 s13, $0x2;
	p0 =	sne.s32 s13, $0x7E00;
	s13 =	sadd.s32 $0x200, s13;
	vm11 =	vgt.f32 v22, $-5.000000000e-01;
	vm8 =	vmand vm10, vm8;
	vm5 =	vmor vm5, vm9  }
0x36: {  	vm9 =	vgt.f32 v25, $-5.000000000e-01;
	v25 =	vand.u32 $0x7FFFFFFF, v21;
	v22 =	vld [tilespmem:s14+$0x2010];
	vm7 =	vmand vm11, vm7  }
0x37: {  	v14 =	vadd.f32 v23, v14;
	v26 =	vld [tilespmem:s14+$0x2070];
	v27 =	vsel vm7, $0x3F800000, v0;
	vm7 =	vle.f32 v21, $5.000000000e-01  }
0x38: {  	vm10 =	vgt.f32 v19, $-5.000000000e-01;
	v9 =	vadd.f32 v24, v9;
	vm5 =	vmand vm9, vm5;
	v23 =	vld [tilespmem:s14+$0x2000]  }
0x39: {  	v28 =	vsel vm8, $0x3F800000, v0;
	v29 =	vsel vm5, $0x3F800000, v0;
	vm0 =	vmor vm0, vm7;
	v24 =	vld [tilespmem:s14+$0x2020]  }
0x3a: {  	v6 =	vadd.f32 v28, v6;
	vm5 =	vgt.f32 v21, $-5.000000000e-01;
	v4 =	vadd.f32 v29, v4;
	v30 =	vld [tilespmem:s14+$0x2030]  }
0x3b: {  	vm6 =	vmand vm10, vm6;
	v3 =	vadd.f32 v25, v3;
	vm0 =	vmand vm5, vm0;
	v21 =	vld [tilespmem:s14+$0x0]  }
0x3c: {  	v19 =	vand.u32 $0x7FFFFFFF, v19;
	v28 =	vsel vm6, $0x3F800000, v0;
	v29 =	vsel vm0, $0x3F800000, v0;
	v25 =	vld [tilespmem:s14+$0x40]  }
0x3d: {  	v11 =	vadd.f32 v28, v11;
	vm0 =	vmand vm3, vm4;
	v2 =	vadd.f32 v29, v2;
	v31 =	vld [tilespmem:s14+$0x70]  }
0x3e: {  	v13 =	vadd.f32 v19, v13;
	v15 =	vadd.f32 v27, v15;
	vm3 =	vgt.f32 v18, $-5.000000000e-01;
	v28 =	vld [tilespmem:s14+$0x2060]  }
0x3f: {  	v16 =	vadd.f32 v17, v16;
	v8 =	vadd.f32 v20, v8;
	v18 =	vld [tilespmem:s14+$0x10];
	vm4 =	veq.f32 v30, $9.900000000e+01  }
0x40: {  	v19 =	vsel vm0, $0x3F800000, v0;
	vm5 =	veq.f32 v23, $9.900000000e+01;
	vm6 =	veq.f32 v24, $9.900000000e+01;
	v17 =	vld [tilespmem:s14+$0x2040]  }
0x41: {  	vm1 =	vmor vm1, vm2;
	vm0 =	veq.f32 v26, $9.900000000e+01;
	v20 =	vsub.f32 v21, v23;
	v21 =	vld [tilespmem:s14+$0x20]  }
0x42: {  	vm2 =	veq.f32 v22, $9.900000000e+01;
	vm1 =	vmand vm3, vm1;
	v12 =	vadd.f32 v19, v12;
	v23 =	vld [tilespmem:s14+$0x30]  }
0x43: {  	v29 =	vsel vm1, $0x3F800000, v0;
	vm3 =	vle.f32 v20, $5.000000000e-01;
	v19 =	vand.u32 $0x7FFFFFFF, v20;
	v27 =	vld [tilespmem:s14+$0x50]  }
0x44: {  	v7 =	vadd.f32 v29, v7;
	vm1 =	vmor vm5, vm3;
	v1 =	vadd.f32 v19, v1;
	v32 =	vld [tilespmem:s14+$0x2050]  }
0x45: {  	vm3 =	vgt.f32 v20, $-5.000000000e-01;
	v22 =	vsub.f32 v18, v22;
	v29 =	vsub.f32 v25, v17  }
0x46: {  	vm1 =	vmand vm3, vm1;
	vm8 =	veq.f32 v17, $9.900000000e+01;
	v20 =	vld [tilespmem:s14+$0x60]  }
0x47: {  	vm5 =	veq.f32 v28, $9.900000000e+01;
	v33 =	vand.u32 $0x7FFFFFFF, v22;
	v30 =	vsub.f32 v23, v30  }
0x48: {  	v17 =	vsel vm1, $0x3F800000, v0;
	vm7 =	vle.f32 v22, $5.000000000e-01;
	v19 =	vsub.f32 v21, v24  }
0x49: {  	v23 =	vand.u32 $0x7FFFFFFF, v29;
	vm9 =	vle.f32 v30, $5.000000000e-01;
	v18 =	vsub.f32 v27, v32  }
0x4a: {  	vm10 =	vle.f32 v19, $5.000000000e-01;
	vm3 =	vgt.f32 v30, $-5.000000000e-01;
	vm1 =	veq.f32 v32, $9.900000000e+01  }
.Ltmp0:
0x4b: {  	vm7 =	vmor vm2, vm7;
	vm11 =	vle.f32 v29, $5.000000000e-01;
	v25 =	vsub.f32 v20, v28;
	(pc) =	sbr.rel @p0 .LBB2_2-.Ltmp0, $4  }
0x4c: {  	v21 =	vsub.f32 v31, v26;
	v20 =	vand.u32 $0x7FFFFFFF, v30;
	vm2 =	vle.f32 v18, $5.000000000e-01  }
0x4d: {  	vm8 =	vmor vm8, vm11;
	vm4 =	vmor vm4, vm9;
	vm9 =	vle.f32 v25, $5.000000000e-01  }
0x4e: {  	v5 =	vadd.f32 v20, v5;
	v20 =	vand.u32 $0x7FFFFFFF, v18;
	v24 =	vand.u32 $0x7FFFFFFF, v25  }
0x4f: {  	v10 =	vadd.f32 v33, v10;
	vm6 =	vmor vm6, vm10;
	vm10 =	vgt.f32 v29, $-5.000000000e-01  }
0x50: {  	vm11 =	vgt.f32 v22, $-5.000000000e-01;
	vm8 =	vmand vm10, vm8;
	vm5 =	vmor vm5, vm9  }
0x51: {  	vm15 =	vgt.f32 v25, $-5.000000000e-01;
	v51 =	vand.u32 $0x7FFFFFFF, v21;
	v14 =	vadd.f32 v23, v14  }
0x52: {  	vm12 =	vgt.f32 v19, $-5.000000000e-01;
	vm13 =	vle.f32 v21, $5.000000000e-01;
	vm7 =	vmand vm11, vm7  }
0x53: {  	v53 =	vand.u32 $0x7FFFFFFF, v19;
	v16 =	vadd.f32 v17, v16;
	v52 =	vsel vm7, $0x3F800000, v0  }
0x54: {  	v9 =	vadd.f32 v24, v9;
	vm6 =	vmand vm12, vm6;
	v15 =	vadd.f32 v52, v15  }
0x55: {  	v13 =	vadd.f32 v53, v13;
	v1 =	vadd.f32 v10, v1;
	v54 =	vsel vm6, $0x3F800000, v0  }
0x56: {  	vm3 =	vmand vm3, vm4;
	v55 =	vadd.f32 v54, v11;
	v56 =	vadd.f32 v15, v16  }
0x57: {  	vm14 =	vgt.f32 v18, $-5.000000000e-01;
	v57 =	vsel vm3, $0x3F800000, v0;
	v1 =	vadd.f32 v13, v1  }
0x58: {  	vm1 =	vmor vm1, vm2;
	v12 =	vadd.f32 v57, v12;
	v10 =	vadd.f32 v55, v56  }
0x59: {  	v8 =	vadd.f32 v20, v8;
	v58 =	vsel vm8, $0x3F800000, v0;
	v1 =	vadd.f32 v5, v1  }
0x5a: {  	vm1 =	vmand vm14, vm1;
	v59 =	vadd.f32 v58, v6;
	v60 =	vadd.f32 v12, v10  }
0x5b: {  	vm5 =	vmand vm15, vm5;
	v61 =	vsel vm1, $0x3F800000, v0;
	v1 =	vadd.f32 v14, v1  }
0x5c: {  	vm0 =	vmor vm0, vm13;
	v7 =	vadd.f32 v61, v7;
	v5 =	vadd.f32 v59, v60  }
0x5d: {  	vm15 =	vgt.f32 v21, $-5.000000000e-01;
	v62 =	vsel vm5, $0x3F800000, v0;
	v1 =	vadd.f32 v8, v1  }
0x5e: {  	vm0 =	vmand vm15, vm0;
	v4 =	vadd.f32 v62, v4;
	v5 =	vadd.f32 v7, v5  }
0x5f: {  	v3 =	vadd.f32 v51, v3;
	v63 =	vsel vm0, $0x3F800000, v0;
	v1 =	vadd.f32 v9, v1  }
0x60: {  	v2 =	vadd.f32 v63, v2;
	v4 =	vadd.f32 v4, v5  }
0x61: {  	v1 =	vadd.f32 v3, v1  }
0x62: {  	v2 =	vadd.f32 v2, v4  }
0x63: {  	[tilespmem:$0x4000] =	vst v1  }
0x64: {  	[tilespmem:$0x4080] =	vst v2  }
0x65: {  	[hbm4b:s5+s2] =	stream.linear.scatter [tilespmem:s10], [sflag:$0x1], $0x10, $0x38;
	[tilespmem:$0x4100] =	vst v63  }
0x66: {  	s12 =	sadd.s32 $0x1, s12;
	_ =	swait.ge [sflag:s8], $0x10  }
0x67: {  	p0 =	sne.s32 s12, s7;
	[sflag:s8] =	ssyncset.done $0x0  }
.Ltmp1:
0x68: {  	[sflag:s8] =	ssyncadd.s32 $0xFFFFFFF0;
	(pc) =	sbr.rel @p0 .LBB2_1-.Ltmp1, $4  }
0x69: {  	[hbm4b:s6+s2] =	stream.linear.scatter [tilespmem:s11], [sflag:$0x1], $0x10, $0x38;
	[tilespmem:$0x4100] =	vst v63  }
0x6a: {  	_ =	swait.ge [sflag:s8], $0x10  }
0x6b: {  	[sflag:s8] =	ssyncset.done $0x0  }
0x6c: {  	[sflag:s8] =	ssyncadd.s32 $0xFFFFFFF0  }
0x6d: {  	_ =	sfence.sel $0x180000  }
0x6e: {  	[bflag:$0x0] =	sbarrier.arrive $0xFFFF  }
0x6f: {  	p0 =	sne.s32 s1, $0x0;
	_ =	strace $0x90000047  }
0x70: {  	s0 =	sadd.s32 @!p0 $0x100000, s0;
	[bflag:$0x2] =	sbarrier.arrive $0xFFFF  }
0x71: {  	[sflag:s0] =	ssyncadd.tile.s32 @!p0 $0x1;
	_ =	shalt  }
.Lfunc_end2:
_tile_overlayer_lowered:
.L_overlay_start_2:
0x72: {  	(tag) =	ssettag $0x2  }
0x73: {  	s0 =	rddreg [dreg:$0x0];
	s2 =	stileid.u32  }
0x74: {  	s1 =	rddreg [dreg:$0x1];
	p0 =	sne.s32 s2, $0x0  }
0x75: {  	s3 =	rddreg [dreg:$0x2];
	[bflag:$0x3] =	sbarrier.arrive $0xFFFF;
	s2 =	simm.s32 @!p0 $0x1C01  }
0x76: {  	[timem:s3], [sflag:s2] =	dma.local @!p0 [hbm:s0], s1  }
0x77: {  	s0 =	simm.s32 @!p0 $0x1  }
0x78: {  	_ =	swait.ge @!p0 [sflag:s0], s1  }
0x79: {  	s1 =	ssub.s32 @!p0 $0x0, s1;
	[sflag:s0] =	ssyncset.done @!p0 $0x0  }
0x7a: {  	[sflag:s0] =	ssyncadd.s32 @!p0 s1  }
0x7b: {  	[bflag:$0x3] =	sbarrier.arrive $0xFFFF  }
0x7c: {  	_ =	shalt  }

</sc_bundles>
